<compile_context>
chip_gen: v7x
topology: tpu7x:2x2x1
jax: 0.10.2.dev20260603
libtpu: 0.0.44.dev20260713+nightly
codegen_flags: <defaults>
</compile_context>

<pallas_src>
import functools

import jax
import jax.numpy as jnp
from jax import lax
from jax.experimental import pallas as pl
from jax.experimental.pallas import tpu as pltpu
from jax.experimental.pallas import tpu_sc as plsc

_NC = 2
_NS = 16
_NW = _NC * _NS


@functools.partial(jax.jit, static_argnames=("b_per_w", "chunk", "nbuf", "d"))
def _sc_gather(table, idx, *, b_per_w, chunk, nbuf, d):
    batch = idx.shape[0]
    nchunk = b_per_w // chunk
    nstep = nchunk // nbuf
    mesh = plsc.VectorSubcoreMesh(core_axis_name="c", subcore_axis_name="s")

    @functools.partial(
        pl.kernel,
        out_type=jax.ShapeDtypeStruct((batch, d), jnp.float32),
        mesh=mesh,
        scratch_types=[
            pltpu.VMEM((b_per_w,), jnp.int32),
            [pltpu.VMEM((chunk, d), jnp.float32)] * nbuf,
            [pltpu.SemaphoreType.DMA] * nbuf,
            [pltpu.SemaphoreType.DMA] * nbuf,
        ],
    )
    def k(table_hbm, idx_hbm, out_hbm, idx_v, bufs, gsems, wsems):
        wid = lax.axis_index("s") * _NC + lax.axis_index("c")
        base = wid * b_per_w
        pltpu.sync_copy(idx_hbm.at[pl.ds(base, b_per_w)], idx_v)

        def gather(c, b):
            pltpu.async_copy(
                table_hbm.at[idx_v.at[pl.ds(c * chunk, chunk)]], bufs[b], gsems[b]
            )

        def gwait(b):
            pltpu.make_async_copy(
                table_hbm.at[pl.ds(0, chunk)], bufs[b], gsems[b]
            ).wait()

        def write(c, b):
            pltpu.async_copy(
                bufs[b], out_hbm.at[pl.ds(base + c * chunk, chunk)], wsems[b]
            )

        def wwait(b):
            pltpu.make_async_copy(
                bufs[b], out_hbm.at[pl.ds(0, chunk)], wsems[b]
            ).wait()

        for b in range(nbuf):
            gather(b, b)

        def body(p, _):
            for b in range(nbuf):
                c = p * nbuf + b
                gwait(b)
                write(c, b)

                @pl.when(p < nstep - 1)
                def _():
                    wwait(b)
                    gather(c + nbuf, b)

            return 0

        lax.fori_loop(0, nstep, body, 0)
        for b in range(nbuf):
            wwait(b)

    return k(table, idx)


def kernel(encoding, available_task):
    _, task_num, d = encoding.shape
    table = encoding.reshape(task_num, d)
    idx = available_task.astype(jnp.int32)
    batch = idx.shape[0]
    out = _sc_gather(table, idx, b_per_w=batch // _NW, chunk=16, nbuf=4, d=d)
    return out.reshape(1, batch, d)

# --- scband reference (transcript-rebuilt; emitter-appended) ---
"""Pipeline reference for scband-positional-encoding-72499047956827 (READ-ONLY COPY).

The authoritative reference and input builder live on the scoring server;
editing this copy changes nothing except your own understanding.
"""

import jax, jax.numpy as jnp
import numpy as np

D_MODEL = 1024
TASK_NUM = 8192
BATCH = 16384


def _build_encoding(task_num, d_model):
    pos = jnp.arange(0, task_num, dtype=jnp.float32)[:, None]
    _2i = jnp.arange(0, d_model, 2, dtype=jnp.float32)
    angle = pos / jnp.power(10000.0, _2i / d_model)
    enc = jnp.zeros((1, task_num, d_model), dtype=jnp.float32)
    enc = enc.at[:, :, 0::2].set(jnp.sin(angle)[None, :, :])
    enc = enc.at[:, :, 1::2].set(jnp.cos(angle)[None, :, :])
    return enc


def setup_inputs(seed: int = 0) -> dict:
    key = jax.random.key(seed)
    k1, _ = jax.random.split(key)
    available_task = jax.random.randint(k1, (BATCH,), 0, TASK_NUM, dtype=jnp.int64 if jax.config.jax_enable_x64 else jnp.int32)
    encoding = _build_encoding(TASK_NUM, D_MODEL)
    return {"encoding": encoding, "available_task": available_task}


def reference(encoding, available_task):
    # PositionalEncoding.forward: self.encoding[:, available_task, :]
    return jnp.take(encoding, available_task, axis=1)

if __name__ == "__main__":
    import jax
    _d = setup_inputs()
    print(jax.jit(kernel)(*tuple(_d.values())))

</pallas_src>

<mosaic_0001>
#map = affine_map<(d0, d1) -> (0, 0)>
#map1 = affine_map<(d0, d1) -> (0)>
module attributes {stable_mosaic.version = 14 : i64} {
  func.func @k(%arg0: i32, %arg1: i32, %arg2: memref<8192x1024xf32, #tpu.memory_space<hbm>>, %arg3: memref<16384xi32, #tpu.memory_space<hbm>>, %arg4: memref<16384x1024xf32, #tpu.memory_space<hbm>>, %arg5: memref<512xi32, #tpu.memory_space<vmem>>, %arg6: memref<16x1024xf32, #tpu.memory_space<vmem>>, %arg7: memref<16x1024xf32, #tpu.memory_space<vmem>>, %arg8: memref<16x1024xf32, #tpu.memory_space<vmem>>, %arg9: memref<16x1024xf32, #tpu.memory_space<vmem>>, %arg10: memref<!tpu.dma_semaphore, #tpu.memory_space<semaphore_mem>>, %arg11: memref<!tpu.dma_semaphore, #tpu.memory_space<semaphore_mem>>, %arg12: memref<!tpu.dma_semaphore, #tpu.memory_space<semaphore_mem>>, %arg13: memref<!tpu.dma_semaphore, #tpu.memory_space<semaphore_mem>>, %arg14: memref<!tpu.dma_semaphore, #tpu.memory_space<semaphore_mem>>, %arg15: memref<!tpu.dma_semaphore, #tpu.memory_space<semaphore_mem>>, %arg16: memref<!tpu.dma_semaphore, #tpu.memory_space<semaphore_mem>>, %arg17: memref<!tpu.dma_semaphore, #tpu.memory_space<semaphore_mem>>) attributes {dimension_semantics = [#tpu.dimension_semantics<core_parallel>, #tpu.dimension_semantics<subcore_parallel>], iteration_bounds = array<i64: 2, 16>, scalar_prefetch = 0 : i64, scratch_operands = 13 : i64, tpu.core_type = #tpu.core_type<sc_vector_subcore>, window_params = [{transform_indices = #map}, {transform_indices = #map1}, {transform_indices = #map}]} {
    %mul3A = arith.constant 2 : i32
    %mul3A_0 = arith.muli %arg1, %mul3A : i32
    %add3A = arith.addi %mul3A_0, %arg0 : i32
    %mul3A_1 = arith.constant 512 : i32
    %mul3A_2 = arith.muli %add3A, %mul3A_1 : i32
    "tpu.region"() ({
      %run_scoped3A = tpu.sem_alloc : memref<!tpu.dma_semaphore, #tpu.memory_space<semaphore_mem>>
      %dma_start3A_51 = tpu.memref_slice %arg3[%mul3A_2] : memref<16384xi32, #tpu.memory_space<hbm>> -> memref<512xi32, #tpu.memory_space<hbm>>
      %dma_start3A_52 = tpu.memref_slice %arg3[%mul3A_2] : memref<16384xi32, #tpu.memory_space<hbm>> -> memref<512xi32, #tpu.memory_space<hbm>>
      tpu.enqueue_dma source(%dma_start3A_52 : memref<512xi32, #tpu.memory_space<hbm>>) target(%arg5 : memref<512xi32, #tpu.memory_space<vmem>>) target_semaphore(%run_scoped3A : memref<!tpu.dma_semaphore, #tpu.memory_space<semaphore_mem>>)
      %dma_wait3A_53 = tpu.memref_slice %arg3[%mul3A_2] : memref<16384xi32, #tpu.memory_space<hbm>> -> memref<512xi32, #tpu.memory_space<hbm>>
      %dma_wait3A_54 = tpu.memref_slice %arg3[%mul3A_2] : memref<16384xi32, #tpu.memory_space<hbm>> -> memref<512xi32, #tpu.memory_space<hbm>>
      tpu.wait_dma2 semaphore(%run_scoped3A : memref<!tpu.dma_semaphore, #tpu.memory_space<semaphore_mem>>) src(%dma_wait3A_54 : memref<512xi32, #tpu.memory_space<hbm>>) dst(%arg5 : memref<512xi32, #tpu.memory_space<vmem>>)
      tpu.yield
    }) : () -> ()
    %dma_start3A = arith.constant 0 : i32
    %dma_start3A_3 = tpu.memref_slice %arg5[%dma_start3A] : memref<512xi32, #tpu.memory_space<vmem>> -> memref<16xi32, #tpu.memory_space<vmem>>
    %dma_start3A_4 = arith.constant 0 : i32
    %dma_start3A_5 = arith.constant 0 : i32
    %dma_start3A_6 = tpu.memref_slice %arg2[%dma_start3A_4, %dma_start3A_5] : memref<8192x1024xf32, #tpu.memory_space<hbm>> -> memref<8192x1024xf32, #tpu.memory_space<hbm>>
    tpu.enqueue_indirect_dma source(%dma_start3A_6 : memref<8192x1024xf32, #tpu.memory_space<hbm>>) target(%arg6 : memref<16x1024xf32, #tpu.memory_space<vmem>>) offsets(%dma_start3A_3 : memref<16xi32, #tpu.memory_space<vmem>>) semaphore(%arg10 : memref<!tpu.dma_semaphore, #tpu.memory_space<semaphore_mem>>)
    %dma_start3A_7 = arith.constant 16 : i32
    %dma_start3A_8 = tpu.memref_slice %arg5[%dma_start3A_7] : memref<512xi32, #tpu.memory_space<vmem>> -> memref<16xi32, #tpu.memory_space<vmem>>
    %dma_start3A_9 = arith.constant 0 : i32
    %dma_start3A_10 = arith.constant 0 : i32
    %dma_start3A_11 = tpu.memref_slice %arg2[%dma_start3A_9, %dma_start3A_10] : memref<8192x1024xf32, #tpu.memory_space<hbm>> -> memref<8192x1024xf32, #tpu.memory_space<hbm>>
    tpu.enqueue_indirect_dma source(%dma_start3A_11 : memref<8192x1024xf32, #tpu.memory_space<hbm>>) target(%arg7 : memref<16x1024xf32, #tpu.memory_space<vmem>>) offsets(%dma_start3A_8 : memref<16xi32, #tpu.memory_space<vmem>>) semaphore(%arg11 : memref<!tpu.dma_semaphore, #tpu.memory_space<semaphore_mem>>)
    %dma_start3A_12 = arith.constant 32 : i32
    %dma_start3A_13 = tpu.memref_slice %arg5[%dma_start3A_12] : memref<512xi32, #tpu.memory_space<vmem>> -> memref<16xi32, #tpu.memory_space<vmem>>
    %dma_start3A_14 = arith.constant 0 : i32
    %dma_start3A_15 = arith.constant 0 : i32
    %dma_start3A_16 = tpu.memref_slice %arg2[%dma_start3A_14, %dma_start3A_15] : memref<8192x1024xf32, #tpu.memory_space<hbm>> -> memref<8192x1024xf32, #tpu.memory_space<hbm>>
    tpu.enqueue_indirect_dma source(%dma_start3A_16 : memref<8192x1024xf32, #tpu.memory_space<hbm>>) target(%arg8 : memref<16x1024xf32, #tpu.memory_space<vmem>>) offsets(%dma_start3A_13 : memref<16xi32, #tpu.memory_space<vmem>>) semaphore(%arg12 : memref<!tpu.dma_semaphore, #tpu.memory_space<semaphore_mem>>)
    %dma_start3A_17 = arith.constant 48 : i32
    %dma_start3A_18 = tpu.memref_slice %arg5[%dma_start3A_17] : memref<512xi32, #tpu.memory_space<vmem>> -> memref<16xi32, #tpu.memory_space<vmem>>
    %dma_start3A_19 = arith.constant 0 : i32
    %dma_start3A_20 = arith.constant 0 : i32
    %dma_start3A_21 = tpu.memref_slice %arg2[%dma_start3A_19, %dma_start3A_20] : memref<8192x1024xf32, #tpu.memory_space<hbm>> -> memref<8192x1024xf32, #tpu.memory_space<hbm>>
    tpu.enqueue_indirect_dma source(%dma_start3A_21 : memref<8192x1024xf32, #tpu.memory_space<hbm>>) target(%arg9 : memref<16x1024xf32, #tpu.memory_space<vmem>>) offsets(%dma_start3A_18 : memref<16xi32, #tpu.memory_space<vmem>>) semaphore(%arg13 : memref<!tpu.dma_semaphore, #tpu.memory_space<semaphore_mem>>)
    %scan3A = arith.constant 0 : i32
    %scan3A_22 = arith.constant 0 : i32
    %scan3A_23 = arith.constant 8 : i32
    %scan3A_24 = arith.addi %scan3A_22, %scan3A_23 : i32
    %scan3A_25 = arith.constant 1 : i32
    %scan3A_26 = scf.for %scan3A_51 = %scan3A_22 to %scan3A_24 step %scan3A_25 iter_args(%scan3A_52 = %scan3A) -> (i32)  : i32 {
      %mul3A_53 = arith.constant 4 : i32
      %mul3A_54 = arith.muli %scan3A_51, %mul3A_53 : i32
      %add3A_55 = arith.constant 0 : i32
      %add3A_56 = arith.addi %mul3A_54, %add3A_55 : i32
      %dma_wait3A_57 = arith.constant 0 : i32
      %dma_wait3A_58 = arith.constant 0 : i32
      %dma_wait3A_59 = tpu.memref_slice %arg2[%dma_wait3A_57, %dma_wait3A_58] : memref<8192x1024xf32, #tpu.memory_space<hbm>> -> memref<16x1024xf32, #tpu.memory_space<hbm>>
      %dma_wait3A_60 = arith.constant 0 : i32
      %dma_wait3A_61 = arith.constant 0 : i32
      %dma_wait3A_62 = tpu.memref_slice %arg2[%dma_wait3A_60, %dma_wait3A_61] : memref<8192x1024xf32, #tpu.memory_space<hbm>> -> memref<16x1024xf32, #tpu.memory_space<hbm>>
      tpu.wait_dma2 semaphore(%arg10 : memref<!tpu.dma_semaphore, #tpu.memory_space<semaphore_mem>>) src(%dma_wait3A_62 : memref<16x1024xf32, #tpu.memory_space<hbm>>) dst(%arg6 : memref<16x1024xf32, #tpu.memory_space<vmem>>)
      %mul3A_63 = arith.constant 16 : i32
      %mul3A_64 = arith.muli %add3A_56, %mul3A_63 : i32
      %add3A_65 = arith.addi %mul3A_2, %mul3A_64 : i32
      %dma_start3A_66 = arith.constant 0 : i32
      %dma_start3A_67 = tpu.memref_slice %arg4[%add3A_65, %dma_start3A_66] : memref<16384x1024xf32, #tpu.memory_space<hbm>> -> memref<16x1024xf32, #tpu.memory_space<hbm>>
      %dma_start3A_68 = arith.constant 0 : i32
      %dma_start3A_69 = tpu.memref_slice %arg4[%add3A_65, %dma_start3A_68] : memref<16384x1024xf32, #tpu.memory_space<hbm>> -> memref<16x1024xf32, #tpu.memory_space<hbm>>
      tpu.enqueue_dma source(%arg6 : memref<16x1024xf32, #tpu.memory_space<vmem>>) target(%dma_start3A_69 : memref<16x1024xf32, #tpu.memory_space<hbm>>) target_semaphore(%arg14 : memref<!tpu.dma_semaphore, #tpu.memory_space<semaphore_mem>>)
      %lt3A = arith.constant 7 : i32
      %lt3A_70 = arith.cmpi slt, %scan3A_51, %lt3A : i32
      %convert_element_type3A = arith.extui %lt3A_70 : i1 to i32
      %cond3A = arith.constant 0 : i32
      %cond3A_71 = arith.cmpi ne, %convert_element_type3A, %cond3A : i32
      scf.if %cond3A_71 {
        %dma_wait3A_139 = arith.constant 0 : i32
        %dma_wait3A_140 = arith.constant 0 : i32
        %dma_wait3A_141 = tpu.memref_slice %arg4[%dma_wait3A_139, %dma_wait3A_140] : memref<16384x1024xf32, #tpu.memory_space<hbm>> -> memref<16x1024xf32, #tpu.memory_space<hbm>>
        %dma_wait3A_142 = arith.constant 0 : i32
        %dma_wait3A_143 = arith.constant 0 : i32
        %dma_wait3A_144 = tpu.memref_slice %arg4[%dma_wait3A_142, %dma_wait3A_143] : memref<16384x1024xf32, #tpu.memory_space<hbm>> -> memref<16x1024xf32, #tpu.memory_space<hbm>>
        tpu.wait_dma2 semaphore(%arg14 : memref<!tpu.dma_semaphore, #tpu.memory_space<semaphore_mem>>) src(%arg6 : memref<16x1024xf32, #tpu.memory_space<vmem>>) dst(%dma_wait3A_144 : memref<16x1024xf32, #tpu.memory_space<hbm>>)
        %add3A_145 = arith.constant 4 : i32
        %add3A_146 = arith.addi %add3A_56, %add3A_145 : i32
        %mul3A_147 = arith.constant 16 : i32
        %mul3A_148 = arith.muli %add3A_146, %mul3A_147 : i32
        %dma_start3A_149 = tpu.memref_slice %arg5[%mul3A_148] : memref<512xi32, #tpu.memory_space<vmem>> -> memref<16xi32, #tpu.memory_space<vmem>>
        %dma_start3A_150 = arith.constant 0 : i32
        %dma_start3A_151 = arith.constant 0 : i32
        %dma_start3A_152 = tpu.memref_slice %arg2[%dma_start3A_150, %dma_start3A_151] : memref<8192x1024xf32, #tpu.memory_space<hbm>> -> memref<8192x1024xf32, #tpu.memory_space<hbm>>
        tpu.enqueue_indirect_dma source(%dma_start3A_152 : memref<8192x1024xf32, #tpu.memory_space<hbm>>) target(%arg6 : memref<16x1024xf32, #tpu.memory_space<vmem>>) offsets(%dma_start3A_149 : memref<16xi32, #tpu.memory_space<vmem>>) semaphore(%arg10 : memref<!tpu.dma_semaphore, #tpu.memory_space<semaphore_mem>>)
      } else {
      }
      %mul3A_72 = arith.constant 4 : i32
      %mul3A_73 = arith.muli %scan3A_51, %mul3A_72 : i32
      %add3A_74 = arith.constant 1 : i32
      %add3A_75 = arith.addi %mul3A_73, %add3A_74 : i32
      %dma_wait3A_76 = arith.constant 0 : i32
      %dma_wait3A_77 = arith.constant 0 : i32
      %dma_wait3A_78 = tpu.memref_slice %arg2[%dma_wait3A_76, %dma_wait3A_77] : memref<8192x1024xf32, #tpu.memory_space<hbm>> -> memref<16x1024xf32, #tpu.memory_space<hbm>>
      %dma_wait3A_79 = arith.constant 0 : i32
      %dma_wait3A_80 = arith.constant 0 : i32
      %dma_wait3A_81 = tpu.memref_slice %arg2[%dma_wait3A_79, %dma_wait3A_80] : memref<8192x1024xf32, #tpu.memory_space<hbm>> -> memref<16x1024xf32, #tpu.memory_space<hbm>>
      tpu.wait_dma2 semaphore(%arg11 : memref<!tpu.dma_semaphore, #tpu.memory_space<semaphore_mem>>) src(%dma_wait3A_81 : memref<16x1024xf32, #tpu.memory_space<hbm>>) dst(%arg7 : memref<16x1024xf32, #tpu.memory_space<vmem>>)
      %mul3A_82 = arith.constant 16 : i32
      %mul3A_83 = arith.muli %add3A_75, %mul3A_82 : i32
      %add3A_84 = arith.addi %mul3A_2, %mul3A_83 : i32
      %dma_start3A_85 = arith.constant 0 : i32
      %dma_start3A_86 = tpu.memref_slice %arg4[%add3A_84, %dma_start3A_85] : memref<16384x1024xf32, #tpu.memory_space<hbm>> -> memref<16x1024xf32, #tpu.memory_space<hbm>>
      %dma_start3A_87 = arith.constant 0 : i32
      %dma_start3A_88 = tpu.memref_slice %arg4[%add3A_84, %dma_start3A_87] : memref<16384x1024xf32, #tpu.memory_space<hbm>> -> memref<16x1024xf32, #tpu.memory_space<hbm>>
      tpu.enqueue_dma source(%arg7 : memref<16x1024xf32, #tpu.memory_space<vmem>>) target(%dma_start3A_88 : memref<16x1024xf32, #tpu.memory_space<hbm>>) target_semaphore(%arg15 : memref<!tpu.dma_semaphore, #tpu.memory_space<semaphore_mem>>)
      %lt3A_89 = arith.constant 7 : i32
      %lt3A_90 = arith.cmpi slt, %scan3A_51, %lt3A_89 : i32
      %convert_element_type3A_91 = arith.extui %lt3A_90 : i1 to i32
      %cond3A_92 = arith.constant 0 : i32
      %cond3A_93 = arith.cmpi ne, %convert_element_type3A_91, %cond3A_92 : i32
      scf.if %cond3A_93 {
        %dma_wait3A_139 = arith.constant 0 : i32
        %dma_wait3A_140 = arith.constant 0 : i32
        %dma_wait3A_141 = tpu.memref_slice %arg4[%dma_wait3A_139, %dma_wait3A_140] : memref<16384x1024xf32, #tpu.memory_space<hbm>> -> memref<16x1024xf32, #tpu.memory_space<hbm>>
        %dma_wait3A_142 = arith.constant 0 : i32
        %dma_wait3A_143 = arith.constant 0 : i32
        %dma_wait3A_144 = tpu.memref_slice %arg4[%dma_wait3A_142, %dma_wait3A_143] : memref<16384x1024xf32, #tpu.memory_space<hbm>> -> memref<16x1024xf32, #tpu.memory_space<hbm>>
        tpu.wait_dma2 semaphore(%arg15 : memref<!tpu.dma_semaphore, #tpu.memory_space<semaphore_mem>>) src(%arg7 : memref<16x1024xf32, #tpu.memory_space<vmem>>) dst(%dma_wait3A_144 : memref<16x1024xf32, #tpu.memory_space<hbm>>)
        %add3A_145 = arith.constant 4 : i32
        %add3A_146 = arith.addi %add3A_75, %add3A_145 : i32
        %mul3A_147 = arith.constant 16 : i32
        %mul3A_148 = arith.muli %add3A_146, %mul3A_147 : i32
        %dma_start3A_149 = tpu.memref_slice %arg5[%mul3A_148] : memref<512xi32, #tpu.memory_space<vmem>> -> memref<16xi32, #tpu.memory_space<vmem>>
        %dma_start3A_150 = arith.constant 0 : i32
        %dma_start3A_151 = arith.constant 0 : i32
        %dma_start3A_152 = tpu.memref_slice %arg2[%dma_start3A_150, %dma_start3A_151] : memref<8192x1024xf32, #tpu.memory_space<hbm>> -> memref<8192x1024xf32, #tpu.memory_space<hbm>>
        tpu.enqueue_indirect_dma source(%dma_start3A_152 : memref<8192x1024xf32, #tpu.memory_space<hbm>>) target(%arg7 : memref<16x1024xf32, #tpu.memory_space<vmem>>) offsets(%dma_start3A_149 : memref<16xi32, #tpu.memory_space<vmem>>) semaphore(%arg11 : memref<!tpu.dma_semaphore, #tpu.memory_space<semaphore_mem>>)
      } else {
      }
      %mul3A_94 = arith.constant 4 : i32
      %mul3A_95 = arith.muli %scan3A_51, %mul3A_94 : i32
      %add3A_96 = arith.constant 2 : i32
      %add3A_97 = arith.addi %mul3A_95, %add3A_96 : i32
      %dma_wait3A_98 = arith.constant 0 : i32
      %dma_wait3A_99 = arith.constant 0 : i32
      %dma_wait3A_100 = tpu.memref_slice %arg2[%dma_wait3A_98, %dma_wait3A_99] : memref<8192x1024xf32, #tpu.memory_space<hbm>> -> memref<16x1024xf32, #tpu.memory_space<hbm>>
      %dma_wait3A_101 = arith.constant 0 : i32
      %dma_wait3A_102 = arith.constant 0 : i32
      %dma_wait3A_103 = tpu.memref_slice %arg2[%dma_wait3A_101, %dma_wait3A_102] : memref<8192x1024xf32, #tpu.memory_space<hbm>> -> memref<16x1024xf32, #tpu.memory_space<hbm>>
      tpu.wait_dma2 semaphore(%arg12 : memref<!tpu.dma_semaphore, #tpu.memory_space<semaphore_mem>>) src(%dma_wait3A_103 : memref<16x1024xf32, #tpu.memory_space<hbm>>) dst(%arg8 : memref<16x1024xf32, #tpu.memory_space<vmem>>)
      %mul3A_104 = arith.constant 16 : i32
      %mul3A_105 = arith.muli %add3A_97, %mul3A_104 : i32
      %add3A_106 = arith.addi %mul3A_2, %mul3A_105 : i32
      %dma_start3A_107 = arith.constant 0 : i32
      %dma_start3A_108 = tpu.memref_slice %arg4[%add3A_106, %dma_start3A_107] : memref<16384x1024xf32, #tpu.memory_space<hbm>> -> memref<16x1024xf32, #tpu.memory_space<hbm>>
      %dma_start3A_109 = arith.constant 0 : i32
      %dma_start3A_110 = tpu.memref_slice %arg4[%add3A_106, %dma_start3A_109] : memref<16384x1024xf32, #tpu.memory_space<hbm>> -> memref<16x1024xf32, #tpu.memory_space<hbm>>
      tpu.enqueue_dma source(%arg8 : memref<16x1024xf32, #tpu.memory_space<vmem>>) target(%dma_start3A_110 : memref<16x1024xf32, #tpu.memory_space<hbm>>) target_semaphore(%arg16 : memref<!tpu.dma_semaphore, #tpu.memory_space<semaphore_mem>>)
      %lt3A_111 = arith.constant 7 : i32
      %lt3A_112 = arith.cmpi slt, %scan3A_51, %lt3A_111 : i32
      %convert_element_type3A_113 = arith.extui %lt3A_112 : i1 to i32
      %cond3A_114 = arith.constant 0 : i32
      %cond3A_115 = arith.cmpi ne, %convert_element_type3A_113, %cond3A_114 : i32
      scf.if %cond3A_115 {
        %dma_wait3A_139 = arith.constant 0 : i32
        %dma_wait3A_140 = arith.constant 0 : i32
        %dma_wait3A_141 = tpu.memref_slice %arg4[%dma_wait3A_139, %dma_wait3A_140] : memref<16384x1024xf32, #tpu.memory_space<hbm>> -> memref<16x1024xf32, #tpu.memory_space<hbm>>
        %dma_wait3A_142 = arith.constant 0 : i32
        %dma_wait3A_143 = arith.constant 0 : i32
        %dma_wait3A_144 = tpu.memref_slice %arg4[%dma_wait3A_142, %dma_wait3A_143] : memref<16384x1024xf32, #tpu.memory_space<hbm>> -> memref<16x1024xf32, #tpu.memory_space<hbm>>
        tpu.wait_dma2 semaphore(%arg16 : memref<!tpu.dma_semaphore, #tpu.memory_space<semaphore_mem>>) src(%arg8 : memref<16x1024xf32, #tpu.memory_space<vmem>>) dst(%dma_wait3A_144 : memref<16x1024xf32, #tpu.memory_space<hbm>>)
        %add3A_145 = arith.constant 4 : i32
        %add3A_146 = arith.addi %add3A_97, %add3A_145 : i32
        %mul3A_147 = arith.constant 16 : i32
        %mul3A_148 = arith.muli %add3A_146, %mul3A_147 : i32
        %dma_start3A_149 = tpu.memref_slice %arg5[%mul3A_148] : memref<512xi32, #tpu.memory_space<vmem>> -> memref<16xi32, #tpu.memory_space<vmem>>
        %dma_start3A_150 = arith.constant 0 : i32
        %dma_start3A_151 = arith.constant 0 : i32
        %dma_start3A_152 = tpu.memref_slice %arg2[%dma_start3A_150, %dma_start3A_151] : memref<8192x1024xf32, #tpu.memory_space<hbm>> -> memref<8192x1024xf32, #tpu.memory_space<hbm>>
        tpu.enqueue_indirect_dma source(%dma_start3A_152 : memref<8192x1024xf32, #tpu.memory_space<hbm>>) target(%arg8 : memref<16x1024xf32, #tpu.memory_space<vmem>>) offsets(%dma_start3A_149 : memref<16xi32, #tpu.memory_space<vmem>>) semaphore(%arg12 : memref<!tpu.dma_semaphore, #tpu.memory_space<semaphore_mem>>)
      } else {
      }
      %mul3A_116 = arith.constant 4 : i32
      %mul3A_117 = arith.muli %scan3A_51, %mul3A_116 : i32
      %add3A_118 = arith.constant 3 : i32
      %add3A_119 = arith.addi %mul3A_117, %add3A_118 : i32
      %dma_wait3A_120 = arith.constant 0 : i32
      %dma_wait3A_121 = arith.constant 0 : i32
      %dma_wait3A_122 = tpu.memref_slice %arg2[%dma_wait3A_120, %dma_wait3A_121] : memref<8192x1024xf32, #tpu.memory_space<hbm>> -> memref<16x1024xf32, #tpu.memory_space<hbm>>
      %dma_wait3A_123 = arith.constant 0 : i32
      %dma_wait3A_124 = arith.constant 0 : i32
      %dma_wait3A_125 = tpu.memref_slice %arg2[%dma_wait3A_123, %dma_wait3A_124] : memref<8192x1024xf32, #tpu.memory_space<hbm>> -> memref<16x1024xf32, #tpu.memory_space<hbm>>
      tpu.wait_dma2 semaphore(%arg13 : memref<!tpu.dma_semaphore, #tpu.memory_space<semaphore_mem>>) src(%dma_wait3A_125 : memref<16x1024xf32, #tpu.memory_space<hbm>>) dst(%arg9 : memref<16x1024xf32, #tpu.memory_space<vmem>>)
      %mul3A_126 = arith.constant 16 : i32
      %mul3A_127 = arith.muli %add3A_119, %mul3A_126 : i32
      %add3A_128 = arith.addi %mul3A_2, %mul3A_127 : i32
      %dma_start3A_129 = arith.constant 0 : i32
      %dma_start3A_130 = tpu.memref_slice %arg4[%add3A_128, %dma_start3A_129] : memref<16384x1024xf32, #tpu.memory_space<hbm>> -> memref<16x1024xf32, #tpu.memory_space<hbm>>
      %dma_start3A_131 = arith.constant 0 : i32
      %dma_start3A_132 = tpu.memref_slice %arg4[%add3A_128, %dma_start3A_131] : memref<16384x1024xf32, #tpu.memory_space<hbm>> -> memref<16x1024xf32, #tpu.memory_space<hbm>>
      tpu.enqueue_dma source(%arg9 : memref<16x1024xf32, #tpu.memory_space<vmem>>) target(%dma_start3A_132 : memref<16x1024xf32, #tpu.memory_space<hbm>>) target_semaphore(%arg17 : memref<!tpu.dma_semaphore, #tpu.memory_space<semaphore_mem>>)
      %lt3A_133 = arith.constant 7 : i32
      %lt3A_134 = arith.cmpi slt, %scan3A_51, %lt3A_133 : i32
      %convert_element_type3A_135 = arith.extui %lt3A_134 : i1 to i32
      %cond3A_136 = arith.constant 0 : i32
      %cond3A_137 = arith.cmpi ne, %convert_element_type3A_135, %cond3A_136 : i32
      scf.if %cond3A_137 {
        %dma_wait3A_139 = arith.constant 0 : i32
        %dma_wait3A_140 = arith.constant 0 : i32
        %dma_wait3A_141 = tpu.memref_slice %arg4[%dma_wait3A_139, %dma_wait3A_140] : memref<16384x1024xf32, #tpu.memory_space<hbm>> -> memref<16x1024xf32, #tpu.memory_space<hbm>>
        %dma_wait3A_142 = arith.constant 0 : i32
        %dma_wait3A_143 = arith.constant 0 : i32
        %dma_wait3A_144 = tpu.memref_slice %arg4[%dma_wait3A_142, %dma_wait3A_143] : memref<16384x1024xf32, #tpu.memory_space<hbm>> -> memref<16x1024xf32, #tpu.memory_space<hbm>>
        tpu.wait_dma2 semaphore(%arg17 : memref<!tpu.dma_semaphore, #tpu.memory_space<semaphore_mem>>) src(%arg9 : memref<16x1024xf32, #tpu.memory_space<vmem>>) dst(%dma_wait3A_144 : memref<16x1024xf32, #tpu.memory_space<hbm>>)
        %add3A_145 = arith.constant 4 : i32
        %add3A_146 = arith.addi %add3A_119, %add3A_145 : i32
        %mul3A_147 = arith.constant 16 : i32
        %mul3A_148 = arith.muli %add3A_146, %mul3A_147 : i32
        %dma_start3A_149 = tpu.memref_slice %arg5[%mul3A_148] : memref<512xi32, #tpu.memory_space<vmem>> -> memref<16xi32, #tpu.memory_space<vmem>>
        %dma_start3A_150 = arith.constant 0 : i32
        %dma_start3A_151 = arith.constant 0 : i32
        %dma_start3A_152 = tpu.memref_slice %arg2[%dma_start3A_150, %dma_start3A_151] : memref<8192x1024xf32, #tpu.memory_space<hbm>> -> memref<8192x1024xf32, #tpu.memory_space<hbm>>
        tpu.enqueue_indirect_dma source(%dma_start3A_152 : memref<8192x1024xf32, #tpu.memory_space<hbm>>) target(%arg9 : memref<16x1024xf32, #tpu.memory_space<vmem>>) offsets(%dma_start3A_149 : memref<16xi32, #tpu.memory_space<vmem>>) semaphore(%arg13 : memref<!tpu.dma_semaphore, #tpu.memory_space<semaphore_mem>>)
      } else {
      }
      %scan3A_138 = arith.constant 0 : i32
      scf.yield %scan3A_138 : i32
    }
    %scan3A_27 = arith.constant 8 : i32
    %dma_wait3A = arith.constant 0 : i32
    %dma_wait3A_28 = arith.constant 0 : i32
    %dma_wait3A_29 = tpu.memref_slice %arg4[%dma_wait3A, %dma_wait3A_28] : memref<16384x1024xf32, #tpu.memory_space<hbm>> -> memref<16x1024xf32, #tpu.memory_space<hbm>>
    %dma_wait3A_30 = arith.constant 0 : i32
    %dma_wait3A_31 = arith.constant 0 : i32
    %dma_wait3A_32 = tpu.memref_slice %arg4[%dma_wait3A_30, %dma_wait3A_31] : memref<16384x1024xf32, #tpu.memory_space<hbm>> -> memref<16x1024xf32, #tpu.memory_space<hbm>>
    tpu.wait_dma2 semaphore(%arg14 : memref<!tpu.dma_semaphore, #tpu.memory_space<semaphore_mem>>) src(%arg6 : memref<16x1024xf32, #tpu.memory_space<vmem>>) dst(%dma_wait3A_32 : memref<16x1024xf32, #tpu.memory_space<hbm>>)
    %dma_wait3A_33 = arith.constant 0 : i32
    %dma_wait3A_34 = arith.constant 0 : i32
    %dma_wait3A_35 = tpu.memref_slice %arg4[%dma_wait3A_33, %dma_wait3A_34] : memref<16384x1024xf32, #tpu.memory_space<hbm>> -> memref<16x1024xf32, #tpu.memory_space<hbm>>
    %dma_wait3A_36 = arith.constant 0 : i32
    %dma_wait3A_37 = arith.constant 0 : i32
    %dma_wait3A_38 = tpu.memref_slice %arg4[%dma_wait3A_36, %dma_wait3A_37] : memref<16384x1024xf32, #tpu.memory_space<hbm>> -> memref<16x1024xf32, #tpu.memory_space<hbm>>
    tpu.wait_dma2 semaphore(%arg15 : memref<!tpu.dma_semaphore, #tpu.memory_space<semaphore_mem>>) src(%arg7 : memref<16x1024xf32, #tpu.memory_space<vmem>>) dst(%dma_wait3A_38 : memref<16x1024xf32, #tpu.memory_space<hbm>>)
    %dma_wait3A_39 = arith.constant 0 : i32
    %dma_wait3A_40 = arith.constant 0 : i32
    %dma_wait3A_41 = tpu.memref_slice %arg4[%dma_wait3A_39, %dma_wait3A_40] : memref<16384x1024xf32, #tpu.memory_space<hbm>> -> memref<16x1024xf32, #tpu.memory_space<hbm>>
    %dma_wait3A_42 = arith.constant 0 : i32
    %dma_wait3A_43 = arith.constant 0 : i32
    %dma_wait3A_44 = tpu.memref_slice %arg4[%dma_wait3A_42, %dma_wait3A_43] : memref<16384x1024xf32, #tpu.memory_space<hbm>> -> memref<16x1024xf32, #tpu.memory_space<hbm>>
    tpu.wait_dma2 semaphore(%arg16 : memref<!tpu.dma_semaphore, #tpu.memory_space<semaphore_mem>>) src(%arg8 : memref<16x1024xf32, #tpu.memory_space<vmem>>) dst(%dma_wait3A_44 : memref<16x1024xf32, #tpu.memory_space<hbm>>)
    %dma_wait3A_45 = arith.constant 0 : i32
    %dma_wait3A_46 = arith.constant 0 : i32
    %dma_wait3A_47 = tpu.memref_slice %arg4[%dma_wait3A_45, %dma_wait3A_46] : memref<16384x1024xf32, #tpu.memory_space<hbm>> -> memref<16x1024xf32, #tpu.memory_space<hbm>>
    %dma_wait3A_48 = arith.constant 0 : i32
    %dma_wait3A_49 = arith.constant 0 : i32
    %dma_wait3A_50 = tpu.memref_slice %arg4[%dma_wait3A_48, %dma_wait3A_49] : memref<16384x1024xf32, #tpu.memory_space<hbm>> -> memref<16x1024xf32, #tpu.memory_space<hbm>>
    tpu.wait_dma2 semaphore(%arg17 : memref<!tpu.dma_semaphore, #tpu.memory_space<semaphore_mem>>) src(%arg9 : memref<16x1024xf32, #tpu.memory_space<vmem>>) dst(%dma_wait3A_50 : memref<16x1024xf32, #tpu.memory_space<hbm>>)
    return
  }
}

</mosaic_0001>

<sc_bundles>
// kernel: _sc_gather.3.cloned.1.call-start
scs
__scs_entry_jumppad:
0x0: {  	(pc) =	sbr.rel $0x88, $3  }
0x1: {  	(tag) =	ssettag $0x0;
	lr =	simm.s32 $0x1  }
0x2: {  	[smem:$0x3F9F] =	sst lr;
	_ =	strace $0xD0000000  }
0x3: {  	_ = 	snop  }
0x4: {  	_ = 	snop  }
0x5: {  	_ = 	snop  }
0x6: {  	_ = 	snop  }
0x7: {  	_ = 	snop  }
__scs_overlays_trampoline_lowered:
0x8: {  	[smem:$0x3FAE] =	sst s0  }
0x9: {  	[smem:$0x3FAF] =	sst s1  }
0xa: {  	[smem:$0x3FB0] =	sst s2  }
0xb: {  	[smem:$0x3FB1] =	sst s3  }
0xc: {  	[smem:$0x3FB2] =	sst s4  }
0xd: {  	[smem:$0x3FB3] =	sst s5  }
0xe: {  	[smem:$0x3FB4] =	sst s6  }
0xf: {  	[smem:$0x3FB5] =	sst s7  }
0x10: {  	[smem:$0x3FB6] =	sst s8  }
0x11: {  	[smem:$0x3FB7] =	sst s9;
	s0 =	simm.s32 @!p0 $0x0  }
0x12: {  	s1 =	sld [smem:$0x3F9D];
	s0 =	simm.s32 @p0 $0x1  }
0x13: {  	[smem:$0x3FB8] =	sst s0;
	s0 =	simm.s32 @!p1 $0x0  }
0x14: {  	s2 =	sld [smem:$0x3F9C];
	s0 =	simm.s32 @p1 $0x1  }
0x15: {  	[smem:$0x3FB9] =	sst s0;
	s0 =	simm.s32 @!p2 $0x0  }
0x16: {  	s3 =	sld [smem:$0x3FDB];
	s0 =	simm.s32 @p2 $0x1  }
0x17: {  	s4 =	simm.s32 $0x1BF5;
	[smem:$0x3FBB] =	sst s0  }
0x18: {  	s0 =	sld [smem:$0x3F9E];
	_ =	swait.ge [sflag:s4], $0x0  }
0x19: {  	s7 =	sld [smem:$0x3F9F]  }
0x1a: {  	s8 =	sadd.s32 $0xFFFFE003, lr  }
0x1b: {  	s9 =	sadd.s32 $0xFFFFFEF7, lr;
	s5 =	simm.s32 $0xFFFFFFFF;
	p2 =	slt.u32 s8, $0xFFFFF086  }
0x1c: {  	p1 =	slt.u32 s9, $0xF7A;
	s5 =	simm.s32 @!p2 $0x0  }
0x1d: {  	s5 =	simm.s32 @p1 $0x1;
	p0 =	seq.s32 s7, s2  }
0x1e: {  	s7 =	smul.u32 @!p0 $0xF7A, s2;
	p2 =	seq.s32 @!p0 s5, $0x0  }
0x1f: {  	s9 =	smul.u32 $0xF7A, s1;
	s8 =	simm.s32 @!p0 $0x1BF5;
	p2 =	por !p2, p0  }
0x20: {  	[sflag:s8] =	ssyncset.s32 @!p0 $0xFFFFF086;
	s6 =	sadd.s32 @!p0 s3, s7;
	s7 =	simm.s32 @!p0 $0x108  }
0x21: {  	s3 =	sadd.s32 s3, s9;
	s6 =	sadd.s32 @!p0 $0x88, s6;
	s7 =	simm.s32 @p2 $0x1082  }
0x22: {  	[simem:s7], [sflag:s8] =	dma.local @!p0 [hbm:s6], $0xF7A  }
0x23: {  	s9 =	sor.u32 $0xD0000000, s2;
	s6 =	simm.s32 $0x108;
	_ =	swait.ge @!p0 [sflag:s8], $0x0  }
0x24: {  	s3 =	sadd.s32 $0x88, s3;
	s6 =	simm.s32 @!p1 $0x1082;
	[sflag:s4] =	ssyncset.s32 $0xFFFFF086  }
0x25: {  	[simem:s6], [sflag:s4] =	dma.local [hbm:s3], $0xF7A  }
0x26: {  	[smem:$0x3F9F] =	sst s1;
	(tag) =	ssettag s2;
	_ =	strace s9  }
0x27: {  	s1 =	sld [smem:$0x3FAF]  }
0x28: {  	s2 =	sld [smem:$0x3FB0]  }
0x29: {  	s4 =	sld [smem:$0x3FB2]  }
0x2a: {  	p0 =	seq.s32 s5, $0x0;
	s5 =	sld [smem:$0x3FB3]  }
0x2b: {  	s6 =	sld [smem:$0x3FB4]  }
0x2c: {  	s7 =	sld [smem:$0x3FB5]  }
0x2d: {  	s3 =	simm.s32 $0x108;
	s8 =	sld [smem:$0x3FB6]  }
0x2e: {  	s3 =	simm.s32 @!p0 $0x1082;
	s9 =	sld [smem:$0x3FB7]  }
0x2f: {  	lr =	sadd.s32 s0, s3;
	s0 =	sld [smem:$0x3FAE]  }
0x30: {  	s3 =	sld [smem:$0x3FB1]  }
0x31: {  	[smem:$0x3FBA] =	sst s10  }
0x32: {  	s10 =	sld [smem:$0x3FB8];
	_ =	sdelay $0x3  }
0x33: {  	p0 =	seq.s32 s10, $0x1;
	s10 =	sld [smem:$0x3FBA];
	_ =	sdelay $0x3  }
0x34: {  	[smem:$0x3FBA] =	sst s10  }
0x35: {  	s10 =	sld [smem:$0x3FB9];
	_ =	sdelay $0x3  }
0x36: {  	p1 =	seq.s32 s10, $0x1;
	s10 =	sld [smem:$0x3FBA];
	_ =	sdelay $0x3  }
0x37: {  	[smem:$0x3FBA] =	sst s10  }
0x38: {  	s10 =	sld [smem:$0x3FBB]  }
0x39: {  	_ = 	snop;
	(pc) =	sbr.ind lr, $3  }
0x3a: {  	_ = 	snop  }
0x3b: {  	_ = 	snop  }
0x3c: {  	p2 =	seq.s32 s10, $0x1;
	s10 =	sld [smem:$0x3FBA]  }
0x3d: {  	_ =	shalt  }
0x3e: {  	_ =	shalt  }
0x3f: {  	_ =	shalt  }
0x40: {  	_ =	shalt  }
0x41: {  	_ =	shalt  }
0x42: {  	_ =	shalt  }
0x43: {  	_ =	shalt  }
0x44: {  	_ =	shalt  }
0x45: {  	_ =	shalt  }
0x46: {  	_ =	shalt  }
0x47: {  	_ =	shalt  }
0x48: {  	_ =	shalt  }
0x49: {  	_ =	shalt  }
0x4a: {  	_ =	shalt  }
0x4b: {  	_ =	shalt  }
0x4c: {  	_ =	shalt  }
0x4d: {  	_ =	shalt  }
0x4e: {  	_ =	shalt  }
0x4f: {  	_ =	shalt  }
0x50: {  	_ =	shalt  }
0x51: {  	_ =	shalt  }
0x52: {  	_ =	shalt  }
0x53: {  	_ =	shalt  }
0x54: {  	_ =	shalt  }
0x55: {  	_ =	shalt  }
0x56: {  	_ =	shalt  }
0x57: {  	_ =	shalt  }
0x58: {  	_ =	shalt  }
0x59: {  	_ =	shalt  }
0x5a: {  	_ =	shalt  }
0x5b: {  	_ =	shalt  }
0x5c: {  	_ =	shalt  }
0x5d: {  	_ =	shalt  }
0x5e: {  	_ =	shalt  }
0x5f: {  	_ =	shalt  }
0x60: {  	_ =	shalt  }
0x61: {  	_ =	shalt  }
0x62: {  	_ =	shalt  }
0x63: {  	_ =	shalt  }
0x64: {  	_ =	shalt  }
0x65: {  	_ =	shalt  }
0x66: {  	_ =	shalt  }
0x67: {  	_ =	shalt  }
0x68: {  	_ =	shalt  }
0x69: {  	_ =	shalt  }
0x6a: {  	_ =	shalt  }
0x6b: {  	_ =	shalt  }
0x6c: {  	_ =	shalt  }
0x6d: {  	_ =	shalt  }
0x6e: {  	_ =	shalt  }
0x6f: {  	_ =	shalt  }
0x70: {  	_ =	shalt  }
0x71: {  	_ =	shalt  }
0x72: {  	_ =	shalt  }
0x73: {  	_ =	shalt  }
0x74: {  	_ =	shalt  }
0x75: {  	_ =	shalt  }
0x76: {  	_ =	shalt  }
0x77: {  	_ =	shalt  }
0x78: {  	_ =	shalt  }
0x79: {  	_ =	shalt  }
0x7a: {  	_ =	shalt  }
0x7b: {  	_ =	shalt  }
0x7c: {  	_ =	shalt  }
0x7d: {  	_ =	shalt  }
0x7e: {  	_ =	shalt  }
0x7f: {  	_ =	shalt  }
0x80: {  	_ =	shalt  }
0x81: {  	_ =	shalt  }
0x82: {  	_ =	shalt  }
0x83: {  	_ =	shalt  }
0x84: {  	_ =	shalt  }
0x85: {  	_ =	shalt  }
0x86: {  	_ =	shalt  }
0x87: {  	_ =	shalt  }
.Lfunc_end0:
.L_simem_size_0:
called_computation_lowered:
.L_overlay_start_0:
0x88: {  	s2 =	sld [smem:$0x3FD9]  }
0x89: {  	s3 =	sld [smem:$0x3FFE];
	_ =	sdelay $0x1  }
0x8a: {  	s1 =	srdreg.scid  }
0x8b: {  	s0 =	sand.u32 $0x1, s1  }
0x8c: {  	s18 =	sshll.u32 s0, $0xA;
	s2 =	sadd.s32 s3, s2  }
0x8d: {  	s2 =	sadd.s32 s2, s18  }
0x8e: {  	[smem:$0x3FC6] =	sst s2  }
0x8f: {  	_ = 	snop  }
0x90: {  	s2 =	sld [smem:$0x3FC9]  }
0x91: {  	s19 =	sld [smem:$0x3FC8]  }
0x92: {  	s4 =	sld [smem:$0x3FD0];
	(tm) =	ssettm $0x1  }
0x93: {  	s5 =	sld [smem:$0x3FFB];
	_ =	sdelay $0x3  }
0x94: {  	_ =	strace s5  }
0x95: {  	s5 =	sld [smem:$0x3FFC];
	_ =	sdelay $0x3  }
0x96: {  	_ =	strace s5  }
0x97: {  	s5 =	sld [smem:$0x3FFD];
	_ =	sdelay $0x3  }
0x98: {  	_ =	strace s5  }
0x99: {  	_ =	strace $0x8FFFFFFF  }
0x9a: {  	s20 =	sld [smem:$0x3FDB];
	_ =	sdelay $0x1  }
0x9b: {  	s6 =	simm.s32 $_scs_section_size  }
0x9c: {  	s7 =	simm.s32 $_size__tile_overlayer_lowered;
	s8 =	simm.s32 $_tile_overlayer_lowered  }
0x9d: {  	s23 =	simm.s32 $0x1BFF;
	s22 =	sshll.u32 s8, $0x1;
	s5 =	sadd.s32 s6, s20  }
0x9e: {  	s9 =	simm.s32 $0x0;
	s21 =	sshll.u32 s7, $0x1;
	s7 =	sadd.s32 s22, s5  }
0x9f: {  	[timem:s9], [sflag:s23] =	dma.local [hbm:s7], s21  }
0xa0: {  	_ =	swait.ge [sflag:s23], s21  }
0xa1: {  	s6 =	ssub.s32 $0x0, s21;
	[sflag:s23] =	ssyncset.done $0x0  }
0xa2: {  	[sflag:s23] =	ssyncadd.s32 s6;
	_ =	sdelay $0x1  }
0xa3: {  	s24 =	simm.s32 $0x1B8B  }
0xa4: {  	_ =	swait.ge [sflag:s24], $0x1  }
0xa5: {  	[sflag:s24] =	ssyncset.done $0x0  }
0xa6: {  	s25 =	simm.s32 $0x1B8E;
	[sflag:s24] =	ssyncadd.s32 $0xFFFFFFFF  }
0xa7: {  	s26 =	simm.s32 $execute0_lowered;
	[smem:$0x3FD2] =	sst s25  }
0xa8: {  	s6 =	sshll.u32 s26, $0x1;
	_ =	strace $0x80000046;
	[dreg:$0x1] =	wrdreg $0xFFFFFFFF  }
0xa9: {  	s28 =	simm.s32 $_size_execute0_lowered;
	s5 =	sadd.s32 s5, s6;
	[dreg:$0x0] =	wrdreg $0x0  }
0xaa: {  	s6 =	sshll.u32 s28, $0x1;
	[dreg:$0x2] =	wrdreg s5  }
0xab: {  	[dreg:$0x3] =	wrdreg s6  }
0xac: {  	[dreg:$0x4] =	wrdreg $0xC0  }
0xad: {  	_ =	task [dreg:s9], $0x5FFFF  }
0xae: {  	[dreg:$0x1] =	wrdreg $0xFFFFFFFF  }
0xaf: {  	[dreg:$0x0] =	wrdreg $0x60  }
0xb0: {  	[dreg:$0x2] =	wrdreg s2  }
0xb1: {  	[dreg:$0x3] =	wrdreg s19  }
0xb2: {  	[dreg:$0x4] =	wrdreg s4  }
0xb3: {  	[dreg:$0x5] =	wrdreg $0x9  }
0xb4: {  	_ =	task.clear_ibuf [dreg:s9], $0x6FFFF;
	_ =	strace $0x90000046  }
0xb5: {  	s29 =	simm.s32 $0x9;
	_ =	strace $0x80000048  }
0xb6: {  	_ =	swait.ge [sflag:s29], $0x1  }
0xb7: {  	[sflag:s29] =	ssyncadd.s32 $0xFFFFFFFF  }
0xb8: {  	_ =	strace $0x90000048  }
0xb9: {  	_ =	sfence  }
0xba: {  	s30 =	sld [smem:$0x0];
	_ =	sdelay $0x2  }
0xbb: {  	s31 =	sshll.u32 s1, $0xD;
	s1 =	sshrl.u32 s1, $0x2  }
0xbc: {  	s3 =	sand.u32 $0x4000, s31;
	s1 =	sadd.s32 s1, s30  }
0xbd: {  	s0 =	sor.u32 s3, s0;
	s1 =	sshll.u32 s1, $0x11  }
0xbe: {  	s0 =	sor.u32 s1, s0  }
0xbf: {  	s0 =	sadd.s32 $0x8F2B, s0  }
0xc0: {  	[sflag:s0] =	ssyncadd.remote.s32 $0x1  }
0xc1: {  	_ =	sfence.sel $0xFFFF  }
0xc2: {  	[dreg:$0x0] =	wrdreg $0xFFFFFFFF;
	(pc) =	sbr.abs _section_cstart, $3  }
0xc3: {  	[dreg:$0x1] =	wrdreg $0xFFFFFFFF  }
0xc4: {  	_ =	task.clear_ibuf [dreg:s9], $0x2FFFF;
	_ =	strace $0x9FFFFFFF  }
0xc5: {  	(tm) =	ssettm $0x7FFFFFFF  }
tec
execute0_lowered:
.L_overlay_start_1:
0x0: {  	(tag) =	ssettag $0x1  }
0x1: {  	s1 =	rddreg [dreg:$0x0]  }
0x2: {  	s0 =	rddreg [dreg:$0x1]  }
0x3: {  	s2 =	rddreg [dreg:$0x2]  }
0x4: {  	s4 =	srdreg.scid;
	s3 =	simm.s32 $0x0;
	s9 =	stileid.u32  }
0x5: {  	s11 =	simm.s32 $0x200;
	s19 =	simm.s32 $0x4200;
	s28 =	simm.s32 $0x8200  }
0x6: {  	s14 =	simm.s32 $0xC200;
	s15 =	simm.s32 $0xCA00;
	s16 =	simm.s32 $0xD200  }
0x7: {  	s17 =	simm.s32 $0xDA00;
	s18 =	simm.s32 $0xE200;
	s20 =	simm.s32 $0xEA00  }
0x8: {  	s21 =	simm.s32 $0xF200;
	s22 =	simm.s32 $0xFA00;
	s29 =	simm.s32 $0x5  }
0x9: {  	s30 =	simm.s32 $0x6;
	s31 =	simm.s32 $0x7;
	s4 =	sand.u32 $0x1, s4  }
0xa: {  	s6 =	sshll.u32 s9, $0xA;
	[smem:$0x7FF] =	sst s3;
	s24 =	sshll.u32 s9, $0x11  }
0xb: {  	s5 =	ssub.s32 $0x2, s4;
	s7 =	sshll.u32 s4, $0x9;
	_ =	strace $0x80000047  }
0xc: {  	s25 =	sshll.u32 s4, $0x10;
	s8 =	sshrl.u32 s5, $0x1;
	s6 =	sor.u32 s7, s6  }
0xd: {  	s7 =	sadd.s32 $0x300, s1;
	s8 =	ssub.s32 s5, s8;
	s23 =	sshrl.u32 s6, $0x3  }
.Ltmp0:
0xe: {  	s5 =	sadd.s32 $0x100, s1;
	s0 =	sadd.s32 s0, s23;
	(pc) =	sbr.rel .LBB2_1-.Ltmp0, $4  }
0xf: {  	s6 =	sadd.s32 $0x200, s1;
	s26 =	smax.u32 s8, $0x1;
	[dreg:$0x4] =	wrdreg s0  }
0x10: {  	v2 =	vlaneseq.u32;
	s23 =	simm.s32 $0x1;
	s0 =	sadd.s32 s24, s2;
	[dreg:$0x5] =	wrdreg s26  }
0x11: {  	vm0 =	vmmov $0xffff;
	v1 =	vshrl.u32 v2, $0x3;
	s24 =	simm.s32 $0x2;
	s26 =	simm.s32 $0x4;
	s2 =	simm.s32 $0x0  }
0x12: {  	v0 =	vand.u32 $0x7, v2;
	v2 =	vor.u32 $0x8, v2;
	v1 =	vmul.u32 $0x8, v1;
	s9 =	sadd.s32 s25, s0;
	s25 =	simm.s32 $0x3;
	s0 =	simm.s32 $0x8  }
.LBB2_4:
0x13: {  	_ =	swait.ge [sflag:s29], $0x4000  }
0x14: {  	[sflag:s29] =	ssyncset.done $0x0  }
0x15: {  	[sflag:s29] =	ssyncadd.s32 $0xFFFFC000  }
0x16: {  	_ =	swait.ge [sflag:s30], $0x4000  }
0x17: {  	[sflag:s30] =	ssyncset.done $0x0  }
0x18: {  	[sflag:s30] =	ssyncadd.s32 $0xFFFFC000  }
0x19: {  	_ =	swait.ge [sflag:s31], $0x4000  }
0x1a: {  	[sflag:s31] =	ssyncset.done $0x0  }
0x1b: {  	[sflag:s31] =	ssyncadd.s32 $0xFFFFC000  }
0x1c: {  	_ =	swait.ge [sflag:s0], $0x4000  }
0x1d: {  	s2 =	sadd.s32 $0x1, s2;
	s4 =	rddreg [dreg:$0x5]  }
0x1e: {  	p0 =	sne.s32 s2, s4  }
.Ltmp1:
0x1f: {  	_ = 	snop;
	(pc) =	sbr.rel @!p0 .LBB2_5-.Ltmp1, $3  }
0x20: {  	_ =	sdelay $0x1  }
0x21: {  	[sflag:s0] =	ssyncset.done $0x0  }
0x22: {  	[sflag:s0] =	ssyncadd.s32 $0xFFFFC000  }
.LBB2_1:
0x23: {  	s4 =	rddreg [dreg:$0x4];
	s12 =	simm.s32 $0x9  }
0x24: {  	[tilespmem:s3], [sflag:$0x9] =	stream.linear.gather [hbm4b:s4+s3], $0x200, $0x38;
	[tilespmem:$0x10200] =	vst v63  }
0x25: {  	_ =	swait.ge [sflag:s12], $0x200  }
0x26: {  	[sflag:s12] =	ssyncset.done $0x0  }
0x27: {  	[sflag:s12] =	ssyncadd.s32 $0xFFFFFE00  }
0x28: {  	v3 =	vld [tilespmem:$0x0];
	_ =	sdelay $0x4  }
0x29: {  	v4 =	vshll.u32 v3, $0x3  }
0x2a: {  	v3 =	vand.u32 $0x7, v3;
	v4 =	vand.u32 $0xFFFFFFC0, v4  }
0x2b: {  	v3 =	vor.u32 v3, v4  }
0x2c: {  	v4 =	vperm.xlane v3, v0;
	_ =	sdelay $0x1  }
0x2d: {  	v4 =	vadd.s32 v1, v4;
	_ =	sdelay $0x4  }
0x2e: {  	[tilespmem:s11], [sflag:$0x1] =	stream.indirect_vreg.gather [hbm4b:s1+s3], $0x80, v4, vm0, $0xb8;
	[tilespmem:$0x10200] =	vst v63  }
0x2f: {  	s13 =	simm.s32 $0xA00;
	v3 =	vperm.xlane v3, v2  }
0x30: {  	[tilespmem:s13], [sflag:$0x1] =	stream.indirect_vreg.gather [hbm4b:s5+s3], $0x80, v4, vm0, $0xb8;
	[tilespmem:$0x10200] =	vst v63  }
0x31: {  	s8 =	simm.s32 $0x1200;
	v3 =	vadd.s32 v1, v3  }
0x32: {  	[tilespmem:s8], [sflag:$0x1] =	stream.indirect_vreg.gather [hbm4b:s6+s3], $0x80, v4, vm0, $0xb8;
	[tilespmem:$0x10200] =	vst v63  }
0x33: {  	s10 =	simm.s32 $0x1A00  }
0x34: {  	[tilespmem:s10], [sflag:$0x1] =	stream.indirect_vreg.gather [hbm4b:s7+s3], $0x80, v4, vm0, $0xb8;
	[tilespmem:$0x10200] =	vst v63  }
0x35: {  	s12 =	simm.s32 $0x2200  }
0x36: {  	[tilespmem:s12], [sflag:$0x1] =	stream.indirect_vreg.gather [hbm4b:s1+s3], $0x80, v3, vm0, $0xb8;
	[tilespmem:$0x10200] =	vst v63  }
0x37: {  	s13 =	simm.s32 $0x2A00  }
0x38: {  	[tilespmem:s13], [sflag:$0x1] =	stream.indirect_vreg.gather [hbm4b:s5+s3], $0x80, v3, vm0, $0xb8;
	[tilespmem:$0x10200] =	vst v63  }
0x39: {  	s8 =	simm.s32 $0x3200  }
0x3a: {  	[tilespmem:s8], [sflag:$0x1] =	stream.indirect_vreg.gather [hbm4b:s6+s3], $0x80, v3, vm0, $0xb8;
	[tilespmem:$0x10200] =	vst v63  }
0x3b: {  	s10 =	simm.s32 $0x3A00  }
0x3c: {  	[tilespmem:s10], [sflag:$0x1] =	stream.indirect_vreg.gather [hbm4b:s7+s3], $0x80, v3, vm0, $0xb8;
	[tilespmem:$0x10200] =	vst v63  }
0x3d: {  	v3 =	vld [tilespmem:$0x10];
	_ =	sdelay $0x4  }
0x3e: {  	v61 =	vshll.u32 v3, $0x3  }
0x3f: {  	v3 =	vand.u32 $0x7, v3;
	v4 =	vand.u32 $0xFFFFFFC0, v61  }
0x40: {  	v3 =	vor.u32 v3, v4  }
0x41: {  	v4 =	vperm.xlane v3, v0;
	_ =	sdelay $0x1  }
0x42: {  	v4 =	vadd.s32 v1, v4;
	_ =	sdelay $0x4  }
0x43: {  	[tilespmem:s19], [sflag:$0x2] =	stream.indirect_vreg.gather [hbm4b:s1+s3], $0x80, v4, vm0, $0xb8;
	[tilespmem:$0x10200] =	vst v63  }
0x44: {  	s12 =	simm.s32 $0x4A00;
	v3 =	vperm.xlane v3, v2  }
0x45: {  	[tilespmem:s12], [sflag:$0x2] =	stream.indirect_vreg.gather [hbm4b:s5+s3], $0x80, v4, vm0, $0xb8;
	[tilespmem:$0x10200] =	vst v63  }
0x46: {  	s13 =	simm.s32 $0x5200;
	v3 =	vadd.s32 v1, v3  }
0x47: {  	[tilespmem:s13], [sflag:$0x2] =	stream.indirect_vreg.gather [hbm4b:s6+s3], $0x80, v4, vm0, $0xb8;
	[tilespmem:$0x10200] =	vst v63  }
0x48: {  	s8 =	simm.s32 $0x5A00  }
0x49: {  	[tilespmem:s8], [sflag:$0x2] =	stream.indirect_vreg.gather [hbm4b:s7+s3], $0x80, v4, vm0, $0xb8;
	[tilespmem:$0x10200] =	vst v63  }
0x4a: {  	s10 =	simm.s32 $0x6200  }
0x4b: {  	[tilespmem:s10], [sflag:$0x2] =	stream.indirect_vreg.gather [hbm4b:s1+s3], $0x80, v3, vm0, $0xb8;
	[tilespmem:$0x10200] =	vst v63  }
0x4c: {  	s12 =	simm.s32 $0x6A00  }
0x4d: {  	[tilespmem:s12], [sflag:$0x2] =	stream.indirect_vreg.gather [hbm4b:s5+s3], $0x80, v3, vm0, $0xb8;
	[tilespmem:$0x10200] =	vst v63  }
0x4e: {  	s13 =	simm.s32 $0x7200  }
0x4f: {  	[tilespmem:s13], [sflag:$0x2] =	stream.indirect_vreg.gather [hbm4b:s6+s3], $0x80, v3, vm0, $0xb8;
	[tilespmem:$0x10200] =	vst v63  }
0x50: {  	s8 =	simm.s32 $0x7A00  }
0x51: {  	[tilespmem:s8], [sflag:$0x2] =	stream.indirect_vreg.gather [hbm4b:s7+s3], $0x80, v3, vm0, $0xb8;
	[tilespmem:$0x10200] =	vst v63  }
0x52: {  	v3 =	vld [tilespmem:$0x20];
	_ =	sdelay $0x4  }
0x53: {  	v62 =	vshll.u32 v3, $0x3  }
0x54: {  	v3 =	vand.u32 $0x7, v3;
	v4 =	vand.u32 $0xFFFFFFC0, v62  }
0x55: {  	v3 =	vor.u32 v3, v4  }
0x56: {  	v4 =	vperm.xlane v3, v0;
	_ =	sdelay $0x1  }
0x57: {  	v4 =	vadd.s32 v1, v4;
	_ =	sdelay $0x4  }
0x58: {  	[tilespmem:s28], [sflag:$0x3] =	stream.indirect_vreg.gather [hbm4b:s1+s3], $0x80, v4, vm0, $0xb8;
	[tilespmem:$0x10200] =	vst v63  }
0x59: {  	s10 =	simm.s32 $0x8A00;
	v3 =	vperm.xlane v3, v2  }
0x5a: {  	[tilespmem:s10], [sflag:$0x3] =	stream.indirect_vreg.gather [hbm4b:s5+s3], $0x80, v4, vm0, $0xb8;
	[tilespmem:$0x10200] =	vst v63  }
0x5b: {  	s12 =	simm.s32 $0x9200;
	v3 =	vadd.s32 v1, v3  }
0x5c: {  	[tilespmem:s12], [sflag:$0x3] =	stream.indirect_vreg.gather [hbm4b:s6+s3], $0x80, v4, vm0, $0xb8;
	[tilespmem:$0x10200] =	vst v63  }
0x5d: {  	s13 =	simm.s32 $0x9A00  }
0x5e: {  	[tilespmem:s13], [sflag:$0x3] =	stream.indirect_vreg.gather [hbm4b:s7+s3], $0x80, v4, vm0, $0xb8;
	[tilespmem:$0x10200] =	vst v63  }
0x5f: {  	s8 =	simm.s32 $0xA200  }
0x60: {  	[tilespmem:s8], [sflag:$0x3] =	stream.indirect_vreg.gather [hbm4b:s1+s3], $0x80, v3, vm0, $0xb8;
	[tilespmem:$0x10200] =	vst v63  }
0x61: {  	s10 =	simm.s32 $0xAA00  }
0x62: {  	[tilespmem:s10], [sflag:$0x3] =	stream.indirect_vreg.gather [hbm4b:s5+s3], $0x80, v3, vm0, $0xb8;
	[tilespmem:$0x10200] =	vst v63  }
0x63: {  	s12 =	simm.s32 $0xB200  }
0x64: {  	[tilespmem:s12], [sflag:$0x3] =	stream.indirect_vreg.gather [hbm4b:s6+s3], $0x80, v3, vm0, $0xb8;
	[tilespmem:$0x10200] =	vst v63  }
0x65: {  	s13 =	simm.s32 $0xBA00  }
0x66: {  	[tilespmem:s13], [sflag:$0x3] =	stream.indirect_vreg.gather [hbm4b:s7+s3], $0x80, v3, vm0, $0xb8;
	[tilespmem:$0x10200] =	vst v63  }
0x67: {  	v3 =	vld [tilespmem:$0x30];
	_ =	sdelay $0x4  }
0x68: {  	v63 =	vshll.u32 v3, $0x3  }
0x69: {  	v3 =	vand.u32 $0x7, v3;
	v4 =	vand.u32 $0xFFFFFFC0, v63  }
0x6a: {  	v3 =	vor.u32 v3, v4  }
0x6b: {  	v4 =	vperm.xlane v3, v0;
	_ =	sdelay $0x1  }
0x6c: {  	v4 =	vadd.s32 v1, v4;
	_ =	sdelay $0x4  }
0x6d: {  	[tilespmem:s14], [sflag:$0x4] =	stream.indirect_vreg.gather [hbm4b:s1+s3], $0x80, v4, vm0, $0xb8;
	[tilespmem:$0x10200] =	vst v63  }
0x6e: {  	v3 =	vperm.xlane v3, v2  }
0x6f: {  	[tilespmem:s15], [sflag:$0x4] =	stream.indirect_vreg.gather [hbm4b:s5+s3], $0x80, v4, vm0, $0xb8;
	[tilespmem:$0x10200] =	vst v63  }
0x70: {  	v3 =	vadd.s32 v1, v3  }
0x71: {  	[tilespmem:s16], [sflag:$0x4] =	stream.indirect_vreg.gather [hbm4b:s6+s3], $0x80, v4, vm0, $0xb8;
	[tilespmem:$0x10200] =	vst v63  }
0x72: {  	_ = 	snop  }
0x73: {  	[tilespmem:s17], [sflag:$0x4] =	stream.indirect_vreg.gather [hbm4b:s7+s3], $0x80, v4, vm0, $0xb8;
	[tilespmem:$0x10200] =	vst v63  }
0x74: {  	_ = 	snop  }
0x75: {  	[tilespmem:s18], [sflag:$0x4] =	stream.indirect_vreg.gather [hbm4b:s1+s3], $0x80, v3, vm0, $0xb8;
	[tilespmem:$0x10200] =	vst v63  }
0x76: {  	_ = 	snop  }
0x77: {  	[tilespmem:s20], [sflag:$0x4] =	stream.indirect_vreg.gather [hbm4b:s5+s3], $0x80, v3, vm0, $0xb8;
	[tilespmem:$0x10200] =	vst v63  }
0x78: {  	_ = 	snop  }
0x79: {  	[tilespmem:s21], [sflag:$0x4] =	stream.indirect_vreg.gather [hbm4b:s6+s3], $0x80, v3, vm0, $0xb8;
	[tilespmem:$0x10200] =	vst v63  }
0x7a: {  	s12 =	simm.s32 $0x70;
	s13 =	simm.s32 $0x0  }
0x7b: {  	[tilespmem:s22], [sflag:$0x4] =	stream.indirect_vreg.gather [hbm4b:s7+s3], $0x80, v3, vm0, $0xb8;
	[tilespmem:$0x10200] =	vst v63  }
.LBB2_2:
0x7c: {  	_ =	swait.ge [sflag:s23], $0x4000  }
0x7d: {  	p0 =	seq.s32 s13, $0xE000;
	[sflag:s23] =	ssyncset.done $0x0  }
0x7e: {  	s4 =	sadd.s32 s13, s9;
	s8 =	simm.s32 @!p0 $0x5;
	[sflag:s23] =	ssyncadd.s32 $0xFFFFC000  }
0x7f: {  	[hbm4b:s4+s3] =	stream.linear.scatter [tilespmem:s11], [sflag:$0x5], $0x4000, $0x38;
	[tilespmem:$0x10200] =	vst v63  }
0x80: {  	_ =	swait.ge @!p0 [sflag:s8], $0x4000  }
0x81: {  	[sflag:s8] =	ssyncset.done @!p0 $0x0  }
0x82: {  	[sflag:s8] =	ssyncadd.s32 @!p0 $0xFFFFC000  }
0x83: {  	v3 =	vld @!p0 [tilespmem:s12+$0xFFFFFFD0];
	_ =	sdelay $0x4  }
0x84: {  	v4 =	vshll.u32 @!p0 v3, $0x3  }
0x85: {  	v5 =	vlaneseq.u32 @!p0;
	v3 =	vand.u32 @!p0 $0x7, v3;
	v4 =	vand.u32 @!p0 $0xFFFFFFC0, v4  }
0x86: {  	v6 =	vshrl.u32 @!p0 v5, $0x3;
	v3 =	vor.u32 @!p0 v3, v4;
	v4 =	vand.u32 @!p0 $0x7, v5  }
0x87: {  	v6 =	vmul.u32 @!p0 $0x8, v6;
	v7 =	vperm.xlane @!p0 v3, v4;
	_ =	sdelay $0x1  }
0x88: {  	v7 =	vadd.s32 @!p0 v6, v7;
	_ =	sdelay $0x3  }
0x89: {  	vm1 =	vmmov @!p0 $0xffff;
	s10 =	simm.s32 @!p0 $0x200;
	s8 =	simm.s32 @!p0 $0x0  }
0x8a: {  	v5 =	vor.u32 @!p0 $0x8, v5;
	[tilespmem:s10], [sflag:$0x1] =	stream.indirect_vreg.gather @!p0 [hbm4b:s1+s8], $0x80, v7, vm1, $0xb8;
	[tilespmem:$0x10200] =	vst v63  }
0x8b: {  	v3 =	vperm.xlane @!p0 v3, v5;
	s10 =	simm.s32 @!p0 $0xA00  }
0x8c: {  	[tilespmem:s10], [sflag:$0x1] =	stream.indirect_vreg.gather @!p0 [hbm4b:s5+s8], $0x80, v7, vm1, $0xb8;
	[tilespmem:$0x10200] =	vst v63  }
0x8d: {  	v3 =	vadd.s32 @!p0 v6, v3;
	s10 =	simm.s32 @!p0 $0x1200  }
0x8e: {  	[tilespmem:s10], [sflag:$0x1] =	stream.indirect_vreg.gather @!p0 [hbm4b:s6+s8], $0x80, v7, vm1, $0xb8;
	[tilespmem:$0x10200] =	vst v63  }
0x8f: {  	s10 =	simm.s32 @!p0 $0x1A00  }
0x90: {  	[tilespmem:s10], [sflag:$0x1] =	stream.indirect_vreg.gather @!p0 [hbm4b:s7+s8], $0x80, v7, vm1, $0xb8;
	[tilespmem:$0x10200] =	vst v63  }
0x91: {  	s10 =	simm.s32 @!p0 $0x2200  }
0x92: {  	[tilespmem:s10], [sflag:$0x1] =	stream.indirect_vreg.gather @!p0 [hbm4b:s1+s8], $0x80, v3, vm1, $0xb8;
	[tilespmem:$0x10200] =	vst v63  }
0x93: {  	s10 =	simm.s32 @!p0 $0x2A00  }
0x94: {  	[tilespmem:s10], [sflag:$0x1] =	stream.indirect_vreg.gather @!p0 [hbm4b:s5+s8], $0x80, v3, vm1, $0xb8;
	[tilespmem:$0x10200] =	vst v63  }
0x95: {  	s10 =	simm.s32 @!p0 $0x3200  }
0x96: {  	[tilespmem:s10], [sflag:$0x1] =	stream.indirect_vreg.gather @!p0 [hbm4b:s6+s8], $0x80, v3, vm1, $0xb8;
	[tilespmem:$0x10200] =	vst v63  }
0x97: {  	s10 =	simm.s32 @!p0 $0x3A00  }
0x98: {  	[tilespmem:s10], [sflag:$0x1] =	stream.indirect_vreg.gather @!p0 [hbm4b:s7+s8], $0x80, v3, vm1, $0xb8;
	[tilespmem:$0x10200] =	vst v63  }
0x99: {  	_ =	swait.ge [sflag:s24], $0x4000  }
0x9a: {  	[sflag:s24] =	ssyncset.done $0x0  }
0x9b: {  	s10 =	sadd.s32 $0x800, s4;
	[sflag:s24] =	ssyncadd.s32 $0xFFFFC000  }
0x9c: {  	[hbm4b:s10+s3] =	stream.linear.scatter [tilespmem:s19], [sflag:$0x6], $0x4000, $0x38;
	[tilespmem:$0x10200] =	vst v63  }
0x9d: {  	s10 =	simm.s32 @!p0 $0x6  }
0x9e: {  	_ =	swait.ge @!p0 [sflag:s10], $0x4000  }
0x9f: {  	[sflag:s10] =	ssyncset.done @!p0 $0x0  }
0xa0: {  	[sflag:s10] =	ssyncadd.s32 @!p0 $0xFFFFC000  }
0xa1: {  	v3 =	vld @!p0 [tilespmem:s12+$0xFFFFFFE0];
	_ =	sdelay $0x4  }
0xa2: {  	v7 =	vshll.u32 @!p0 v3, $0x3  }
0xa3: {  	v3 =	vand.u32 @!p0 $0x7, v3;
	v7 =	vand.u32 @!p0 $0xFFFFFFC0, v7  }
0xa4: {  	v3 =	vor.u32 @!p0 v3, v7  }
0xa5: {  	v7 =	vperm.xlane @!p0 v3, v4;
	_ =	sdelay $0x1  }
0xa6: {  	v7 =	vadd.s32 @!p0 v6, v7;
	_ =	sdelay $0x3  }
0xa7: {  	s10 =	simm.s32 @!p0 $0x4200  }
0xa8: {  	[tilespmem:s10], [sflag:$0x2] =	stream.indirect_vreg.gather @!p0 [hbm4b:s1+s8], $0x80, v7, vm1, $0xb8;
	[tilespmem:$0x10200] =	vst v63  }
0xa9: {  	v3 =	vperm.xlane @!p0 v3, v5;
	s10 =	simm.s32 @!p0 $0x4A00  }
0xaa: {  	[tilespmem:s10], [sflag:$0x2] =	stream.indirect_vreg.gather @!p0 [hbm4b:s5+s8], $0x80, v7, vm1, $0xb8;
	[tilespmem:$0x10200] =	vst v63  }
0xab: {  	v3 =	vadd.s32 @!p0 v6, v3;
	s10 =	simm.s32 @!p0 $0x5200  }
0xac: {  	[tilespmem:s10], [sflag:$0x2] =	stream.indirect_vreg.gather @!p0 [hbm4b:s6+s8], $0x80, v7, vm1, $0xb8;
	[tilespmem:$0x10200] =	vst v63  }
0xad: {  	s10 =	simm.s32 @!p0 $0x5A00  }
0xae: {  	[tilespmem:s10], [sflag:$0x2] =	stream.indirect_vreg.gather @!p0 [hbm4b:s7+s8], $0x80, v7, vm1, $0xb8;
	[tilespmem:$0x10200] =	vst v63  }
0xaf: {  	s10 =	simm.s32 @!p0 $0x6200  }
0xb0: {  	[tilespmem:s10], [sflag:$0x2] =	stream.indirect_vreg.gather @!p0 [hbm4b:s1+s8], $0x80, v3, vm1, $0xb8;
	[tilespmem:$0x10200] =	vst v63  }
0xb1: {  	s10 =	simm.s32 @!p0 $0x6A00  }
0xb2: {  	[tilespmem:s10], [sflag:$0x2] =	stream.indirect_vreg.gather @!p0 [hbm4b:s5+s8], $0x80, v3, vm1, $0xb8;
	[tilespmem:$0x10200] =	vst v63  }
0xb3: {  	s10 =	simm.s32 @!p0 $0x7200  }
0xb4: {  	[tilespmem:s10], [sflag:$0x2] =	stream.indirect_vreg.gather @!p0 [hbm4b:s6+s8], $0x80, v3, vm1, $0xb8;
	[tilespmem:$0x10200] =	vst v63  }
0xb5: {  	s10 =	simm.s32 @!p0 $0x7A00  }
0xb6: {  	[tilespmem:s10], [sflag:$0x2] =	stream.indirect_vreg.gather @!p0 [hbm4b:s7+s8], $0x80, v3, vm1, $0xb8;
	[tilespmem:$0x10200] =	vst v63  }
0xb7: {  	_ =	swait.ge [sflag:s25], $0x4000  }
0xb8: {  	[sflag:s25] =	ssyncset.done $0x0  }
0xb9: {  	s10 =	sadd.s32 $0x1000, s4;
	[sflag:s25] =	ssyncadd.s32 $0xFFFFC000  }
0xba: {  	[hbm4b:s10+s3] =	stream.linear.scatter [tilespmem:s28], [sflag:$0x7], $0x4000, $0x38;
	[tilespmem:$0x10200] =	vst v63  }
0xbb: {  	s10 =	simm.s32 @!p0 $0x7  }
0xbc: {  	_ =	swait.ge @!p0 [sflag:s10], $0x4000  }
0xbd: {  	[sflag:s10] =	ssyncset.done @!p0 $0x0  }
0xbe: {  	[sflag:s10] =	ssyncadd.s32 @!p0 $0xFFFFC000  }
0xbf: {  	v3 =	vld @!p0 [tilespmem:s12+$0xFFFFFFF0];
	_ =	sdelay $0x4  }
0xc0: {  	v7 =	vshll.u32 @!p0 v3, $0x3  }
0xc1: {  	v3 =	vand.u32 @!p0 $0x7, v3;
	v7 =	vand.u32 @!p0 $0xFFFFFFC0, v7  }
0xc2: {  	v3 =	vor.u32 @!p0 v3, v7  }
0xc3: {  	v4 =	vperm.xlane @!p0 v3, v4;
	_ =	sdelay $0x1  }
0xc4: {  	v4 =	vadd.s32 @!p0 v6, v4;
	_ =	sdelay $0x3  }
0xc5: {  	s10 =	simm.s32 @!p0 $0x8200  }
0xc6: {  	[tilespmem:s10], [sflag:$0x3] =	stream.indirect_vreg.gather @!p0 [hbm4b:s1+s8], $0x80, v4, vm1, $0xb8;
	[tilespmem:$0x10200] =	vst v63  }
0xc7: {  	v3 =	vperm.xlane @!p0 v3, v5;
	s10 =	simm.s32 @!p0 $0x8A00  }
0xc8: {  	[tilespmem:s10], [sflag:$0x3] =	stream.indirect_vreg.gather @!p0 [hbm4b:s5+s8], $0x80, v4, vm1, $0xb8;
	[tilespmem:$0x10200] =	vst v63  }
0xc9: {  	v3 =	vadd.s32 @!p0 v6, v3;
	s10 =	simm.s32 @!p0 $0x9200  }
0xca: {  	[tilespmem:s10], [sflag:$0x3] =	stream.indirect_vreg.gather @!p0 [hbm4b:s6+s8], $0x80, v4, vm1, $0xb8;
	[tilespmem:$0x10200] =	vst v63  }
0xcb: {  	s10 =	simm.s32 @!p0 $0x9A00  }
0xcc: {  	[tilespmem:s10], [sflag:$0x3] =	stream.indirect_vreg.gather @!p0 [hbm4b:s7+s8], $0x80, v4, vm1, $0xb8;
	[tilespmem:$0x10200] =	vst v63  }
0xcd: {  	s10 =	simm.s32 @!p0 $0xA200  }
0xce: {  	[tilespmem:s10], [sflag:$0x3] =	stream.indirect_vreg.gather @!p0 [hbm4b:s1+s8], $0x80, v3, vm1, $0xb8;
	[tilespmem:$0x10200] =	vst v63  }
0xcf: {  	s10 =	simm.s32 @!p0 $0xAA00  }
0xd0: {  	[tilespmem:s10], [sflag:$0x3] =	stream.indirect_vreg.gather @!p0 [hbm4b:s5+s8], $0x80, v3, vm1, $0xb8;
	[tilespmem:$0x10200] =	vst v63  }
0xd1: {  	s10 =	simm.s32 @!p0 $0xB200  }
0xd2: {  	[tilespmem:s10], [sflag:$0x3] =	stream.indirect_vreg.gather @!p0 [hbm4b:s6+s8], $0x80, v3, vm1, $0xb8;
	[tilespmem:$0x10200] =	vst v63  }
0xd3: {  	s10 =	simm.s32 @!p0 $0xBA00  }
0xd4: {  	[tilespmem:s10], [sflag:$0x3] =	stream.indirect_vreg.gather @!p0 [hbm4b:s7+s8], $0x80, v3, vm1, $0xb8;
	[tilespmem:$0x10200] =	vst v63  }
.Ltmp2:
0xd5: {  	_ = 	snop;
	(pc) =	sbr.rel @p0 .LBB2_4-.Ltmp2, $4  }
0xd6: {  	_ =	swait.ge [sflag:s26], $0x4000  }
0xd7: {  	[sflag:s26] =	ssyncset.done $0x0  }
0xd8: {  	s4 =	sadd.s32 $0x1800, s4;
	[sflag:s26] =	ssyncadd.s32 $0xFFFFC000  }
0xd9: {  	[hbm4b:s4+s3] =	stream.linear.scatter [tilespmem:s14], [sflag:$0x8], $0x4000, $0x38;
	[tilespmem:$0x10200] =	vst v63  }
0xda: {  	_ =	swait.ge [sflag:s0], $0x4000  }
0xdb: {  	[sflag:s0] =	ssyncset.done $0x0  }
0xdc: {  	[sflag:s0] =	ssyncadd.s32 $0xFFFFC000  }
0xdd: {  	v3 =	vld [tilespmem:s12+$0x0];
	_ =	sdelay $0x4  }
0xde: {  	v4 =	vshll.u32 v3, $0x3  }
0xdf: {  	v3 =	vand.u32 $0x7, v3;
	v4 =	vand.u32 $0xFFFFFFC0, v4  }
0xe0: {  	v3 =	vor.u32 v3, v4  }
0xe1: {  	v4 =	vperm.xlane v3, v0;
	_ =	sdelay $0x1  }
0xe2: {  	v4 =	vadd.s32 v1, v4;
	_ =	sdelay $0x4  }
0xe3: {  	[tilespmem:s14], [sflag:$0x4] =	stream.indirect_vreg.gather [hbm4b:s1+s3], $0x80, v4, vm0, $0xb8;
	[tilespmem:$0x10200] =	vst v63  }
0xe4: {  	v3 =	vperm.xlane v3, v2  }
0xe5: {  	[tilespmem:s15], [sflag:$0x4] =	stream.indirect_vreg.gather [hbm4b:s5+s3], $0x80, v4, vm0, $0xb8;
	[tilespmem:$0x10200] =	vst v63  }
0xe6: {  	v3 =	vadd.s32 v1, v3  }
0xe7: {  	[tilespmem:s16], [sflag:$0x4] =	stream.indirect_vreg.gather [hbm4b:s6+s3], $0x80, v4, vm0, $0xb8;
	[tilespmem:$0x10200] =	vst v63  }
0xe8: {  	_ = 	snop  }
0xe9: {  	[tilespmem:s17], [sflag:$0x4] =	stream.indirect_vreg.gather [hbm4b:s7+s3], $0x80, v4, vm0, $0xb8;
	[tilespmem:$0x10200] =	vst v63  }
0xea: {  	_ = 	snop  }
0xeb: {  	[tilespmem:s18], [sflag:$0x4] =	stream.indirect_vreg.gather [hbm4b:s1+s3], $0x80, v3, vm0, $0xb8;
	[tilespmem:$0x10200] =	vst v63  }
0xec: {  	_ = 	snop  }
0xed: {  	[tilespmem:s20], [sflag:$0x4] =	stream.indirect_vreg.gather [hbm4b:s5+s3], $0x80, v3, vm0, $0xb8;
	[tilespmem:$0x10200] =	vst v63  }
.Ltmp3:
0xee: {  	_ = 	snop;
	(pc) =	sbr.rel .LBB2_2-.Ltmp3, $4  }
0xef: {  	_ = 	snop  }
0xf0: {  	[tilespmem:s21], [sflag:$0x4] =	stream.indirect_vreg.gather [hbm4b:s6+s3], $0x80, v3, vm0, $0xb8;
	[tilespmem:$0x10200] =	vst v63  }
0xf1: {  	s13 =	sadd.s32 $0x2000, s13;
	s12 =	sadd.s32 $0x40, s12  }
0xf2: {  	[tilespmem:s22], [sflag:$0x4] =	stream.indirect_vreg.gather [hbm4b:s7+s3], $0x80, v3, vm0, $0xb8;
	[tilespmem:$0x10200] =	vst v63  }
.LBB2_5:
0xf3: {  	_ =	sfence.sel $0x180000  }
0xf4: {  	[bflag:$0x0] =	sbarrier.arrive $0xFFFF  }
0xf5: {  	_ =	strace $0x90000047  }
0xf6: {  	s0 =	stileid.u32;
	[bflag:$0x2] =	sbarrier.arrive $0xFFFF  }
0xf7: {  	p0 =	sne.s32 s0, $0x0;
	s0 =	rddreg [dreg:$0x3]  }
0xf8: {  	s0 =	sadd.s32 @!p0 $0x100000, s0  }
0xf9: {  	[sflag:s0] =	ssyncadd.tile.s32 @!p0 $0x1;
	_ =	shalt  }
.Lfunc_end2:
_tile_overlayer_lowered:
.L_overlay_start_2:
0xfa: {  	(tag) =	ssettag $0x2  }
0xfb: {  	s0 =	rddreg [dreg:$0x0];
	s2 =	stileid.u32  }
0xfc: {  	s1 =	rddreg [dreg:$0x1];
	p0 =	sne.s32 s2, $0x0  }
0xfd: {  	s3 =	rddreg [dreg:$0x2];
	[bflag:$0x3] =	sbarrier.arrive $0xFFFF;
	s2 =	simm.s32 @!p0 $0x1C09  }
0xfe: {  	[timem:s3], [sflag:s2] =	dma.local @!p0 [hbm:s0], s1  }
0xff: {  	s0 =	simm.s32 @!p0 $0x9  }
0x100: {  	_ =	swait.ge @!p0 [sflag:s0], s1  }
0x101: {  	s1 =	ssub.s32 @!p0 $0x0, s1;
	[sflag:s0] =	ssyncset.done @!p0 $0x0  }
0x102: {  	[sflag:s0] =	ssyncadd.s32 @!p0 s1  }
0x103: {  	[bflag:$0x3] =	sbarrier.arrive $0xFFFF  }
0x104: {  	_ =	shalt  }

</sc_bundles>
